<compile_context>
chip_gen: v7x
topology: tpu7x:2x2x1
jax: 0.10.2.dev20260603
libtpu: 0.0.44.dev20260713+nightly
codegen_flags: <defaults>
</compile_context>

<pallas_src>
import functools

import jax
import jax.numpy as jnp
from jax import lax
from jax.experimental import pallas as pl
from jax.experimental.pallas import tpu as pltpu
from jax.experimental.pallas import tpu_sc as plsc

N = 16384
NUM_GROUPS = 4
LANES = 16
NUM_TILES = 16
CHUNK = N // NUM_TILES
VECS = CHUNK // LANES

_mesh = plsc.VectorSubcoreMesh(
    core_axis_name="c", subcore_axis_name="s", num_cores=1)


@functools.partial(
    pl.kernel,
    mesh=_mesh,
    out_type=jax.ShapeDtypeStruct((LANES,), jnp.float32),
    compiler_params=pltpu.CompilerParams(needs_layout_passes=False),
    scratch_types=[
        pltpu.VMEM((CHUNK,), jnp.float32),
        pltpu.VMEM((CHUNK,), jnp.int32),
        pltpu.VMEM((2 * LANES,), jnp.float32),
        pltpu.VMEM_SHARED((NUM_TILES * 2 * LANES,), jnp.float32),
        pltpu.SemaphoreType.DMA,
    ],
)
def _fair_loss_sc(y_hbm, p_hbm, out_hbm, y_v, p_v, acc_v, shared, sem):
    s = lax.axis_index("s")

    cp_y = pltpu.async_copy(y_hbm.at[pl.ds(s * CHUNK, CHUNK)], y_v, sem)
    cp_p = pltpu.async_copy(p_hbm.at[pl.ds(s * CHUNK, CHUNK)], p_v, sem)

    zeros = jnp.zeros((LANES,), jnp.float32)
    cp_y.wait()
    cp_p.wait()

    def body(i, carry):
        sums, cnts = carry
        y = y_v[pl.ds(i * LANES, LANES)]
        p = p_v[pl.ds(i * LANES, LANES)]
        new_s = []
        new_c = []
        for g in range(NUM_GROUPS):
            m = p == g
            new_s.append(sums[g] + jnp.where(m, y, 0.0))
            new_c.append(cnts[g] + jnp.where(m, 1.0, 0.0))
        return tuple(new_s), tuple(new_c)

    init = ((zeros,) * NUM_GROUPS, (zeros,) * NUM_GROUPS)
    sums, cnts = lax.fori_loop(0, VECS, body, init)

    lane = lax.iota(jnp.int32, LANES)
    ps = zeros
    pc = zeros
    for g in range(NUM_GROUPS):
        ps = jnp.where(lane == g, jnp.sum(sums[g]), ps)
        pc = jnp.where(lane == g, jnp.sum(cnts[g]), pc)
    acc_v[pl.ds(0, LANES)] = ps
    acc_v[pl.ds(LANES, LANES)] = pc

    pltpu.sync_copy(acc_v, shared.at[pl.ds(s * 2 * LANES, 2 * LANES)])
    plsc.subcore_barrier()

    @pl.when(s == 0)
    def _():
        pltpu.sync_copy(shared, y_v.at[pl.ds(0, NUM_TILES * 2 * LANES)])
        acc_s = zeros
        acc_c = zeros
        for t in range(NUM_TILES):
            acc_s = acc_s + y_v[pl.ds(t * 2 * LANES, LANES)]
            acc_c = acc_c + y_v[pl.ds(t * 2 * LANES + LANES, LANES)]

        means_v = acc_s / acc_c
        means = [means_v[g] for g in range(NUM_GROUPS)]
        mx = means[0]
        mn = means[0]
        for g in range(1, NUM_GROUPS):
            mx = jnp.maximum(mx, means[g])
            mn = jnp.minimum(mn, means[g])
        d = mx - mn
        loss = jnp.maximum(jnp.float32(0.0), d * d)
        acc_v[pl.ds(0, LANES)] = jnp.broadcast_to(loss, (LANES,))
        pltpu.sync_copy(acc_v.at[pl.ds(0, LANES)], out_hbm)


def kernel(y_label, y_pred, protected):
    del y_label
    out = _fair_loss_sc(y_pred.astype(jnp.float32),
                        protected.astype(jnp.int32))
    return out[0]

# --- scband reference (transcript-rebuilt; emitter-appended) ---
"""Pipeline reference for scband-fair-loss-func-1717986919108 (READ-ONLY COPY).

The authoritative reference and input builder live on the scoring server;
editing this copy changes nothing except your own understanding.
"""

import jax, jax.numpy as jnp
import numpy as np

PROTECTED = [0, 1, 2, 3]

def setup_inputs(seed: int = 0) -> dict:
    key = jax.random.key(seed)
    k1, k2, k3 = jax.random.split(key, 3)
    y_label = jax.random.uniform(k1, (16384,), dtype=jnp.float32)
    y_pred = jax.random.uniform(k2, (16384,), dtype=jnp.float32)
    protected = jax.random.randint(k3, (16384,), 0, 4)
    return {"y_label": y_label, "y_pred": y_pred, "protected": protected}

def reference(y_label, y_pred, protected):
    # Faithful translation of FairLossFunc.forward: pairwise squared difference
    # of per-group mean predictions; return the maximum (init 0).
    losses = []
    for i in PROTECTED:
        for j in PROTECTED:
            m1 = (protected == i).astype(y_pred.dtype)
            m2 = (protected == j).astype(y_pred.dtype)
            p_1 = jnp.sum(y_pred * m1) / jnp.sum(m1)
            p_2 = jnp.sum(y_pred * m2) / jnp.sum(m2)
            losses.append((p_1 - p_2) ** 2)
    losses_max = jnp.maximum(jnp.asarray(0.0, dtype=y_pred.dtype), jnp.max(jnp.stack(losses)))
    return losses_max

if __name__ == "__main__":
    import jax
    _d = setup_inputs()
    print(jax.jit(kernel)(*tuple(_d.values())))

</pallas_src>

<mosaic_0001>
#map = affine_map<(d0, d1) -> (0)>
module attributes {stable_mosaic.version = 14 : i64} {
  func.func @_fair_loss_sc(%arg0: i32, %arg1: i32, %arg2: memref<16384xf32, #tpu.memory_space<hbm>>, %arg3: memref<16384xi32, #tpu.memory_space<hbm>>, %arg4: memref<16xf32, #tpu.memory_space<hbm>>, %arg5: memref<1024xf32, #tpu.memory_space<vmem>>, %arg6: memref<1024xi32, #tpu.memory_space<vmem>>, %arg7: memref<32xf32, #tpu.memory_space<vmem>>, %arg8: memref<512xf32, #tpu.memory_space<vmem_shared>>, %arg9: memref<!tpu.dma_semaphore, #tpu.memory_space<semaphore_mem>>) attributes {dimension_semantics = [#tpu.dimension_semantics<core_parallel>, #tpu.dimension_semantics<subcore_parallel>], iteration_bounds = array<i64: 1, 16>, scalar_prefetch = 0 : i64, scratch_operands = 5 : i64, tpu.core_type = #tpu.core_type<sc_vector_subcore>, window_params = [{transform_indices = #map}, {transform_indices = #map}, {transform_indices = #map}]} {
    %mul3A = arith.constant 1024 : i32
    %mul3A_0 = arith.muli %arg1, %mul3A : i32
    %dma_start3A = tpu.memref_slice %arg2[%mul3A_0] : memref<16384xf32, #tpu.memory_space<hbm>> -> memref<1024xf32, #tpu.memory_space<hbm>>
    %dma_start3A_1 = tpu.memref_slice %arg2[%mul3A_0] : memref<16384xf32, #tpu.memory_space<hbm>> -> memref<1024xf32, #tpu.memory_space<hbm>>
    tpu.enqueue_dma source(%dma_start3A_1 : memref<1024xf32, #tpu.memory_space<hbm>>) target(%arg5 : memref<1024xf32, #tpu.memory_space<vmem>>) target_semaphore(%arg9 : memref<!tpu.dma_semaphore, #tpu.memory_space<semaphore_mem>>)
    %mul3A_2 = arith.constant 1024 : i32
    %mul3A_3 = arith.muli %arg1, %mul3A_2 : i32
    %dma_start3A_4 = tpu.memref_slice %arg3[%mul3A_3] : memref<16384xi32, #tpu.memory_space<hbm>> -> memref<1024xi32, #tpu.memory_space<hbm>>
    %dma_start3A_5 = tpu.memref_slice %arg3[%mul3A_3] : memref<16384xi32, #tpu.memory_space<hbm>> -> memref<1024xi32, #tpu.memory_space<hbm>>
    tpu.enqueue_dma source(%dma_start3A_5 : memref<1024xi32, #tpu.memory_space<hbm>>) target(%arg6 : memref<1024xi32, #tpu.memory_space<vmem>>) target_semaphore(%arg9 : memref<!tpu.dma_semaphore, #tpu.memory_space<semaphore_mem>>)
    %broadcast_in_dim3A = arith.constant 0.000000e+00 : f32
    %broadcast_in_dim3A_6 = vector.broadcast %broadcast_in_dim3A : f32 to vector<16xf32>
    %dma_wait3A = tpu.memref_slice %arg2[%mul3A_0] : memref<16384xf32, #tpu.memory_space<hbm>> -> memref<1024xf32, #tpu.memory_space<hbm>>
    %dma_wait3A_7 = tpu.memref_slice %arg2[%mul3A_0] : memref<16384xf32, #tpu.memory_space<hbm>> -> memref<1024xf32, #tpu.memory_space<hbm>>
    tpu.wait_dma2 semaphore(%arg9 : memref<!tpu.dma_semaphore, #tpu.memory_space<semaphore_mem>>) src(%dma_wait3A_7 : memref<1024xf32, #tpu.memory_space<hbm>>) dst(%arg5 : memref<1024xf32, #tpu.memory_space<vmem>>)
    %dma_wait3A_8 = tpu.memref_slice %arg3[%mul3A_3] : memref<16384xi32, #tpu.memory_space<hbm>> -> memref<1024xi32, #tpu.memory_space<hbm>>
    %dma_wait3A_9 = tpu.memref_slice %arg3[%mul3A_3] : memref<16384xi32, #tpu.memory_space<hbm>> -> memref<1024xi32, #tpu.memory_space<hbm>>
    tpu.wait_dma2 semaphore(%arg9 : memref<!tpu.dma_semaphore, #tpu.memory_space<semaphore_mem>>) src(%dma_wait3A_9 : memref<1024xi32, #tpu.memory_space<hbm>>) dst(%arg6 : memref<1024xi32, #tpu.memory_space<vmem>>)
    %scan3A = arith.constant 0 : i32
    %scan3A_10 = arith.constant 64 : i32
    %scan3A_11 = arith.addi %scan3A, %scan3A_10 : i32
    %scan3A_12 = arith.constant 1 : i32
    %scan3A_13:8 = scf.for %scan3A_94 = %scan3A to %scan3A_11 step %scan3A_12 iter_args(%scan3A_95 = %broadcast_in_dim3A_6, %scan3A_96 = %broadcast_in_dim3A_6, %scan3A_97 = %broadcast_in_dim3A_6, %scan3A_98 = %broadcast_in_dim3A_6, %scan3A_99 = %broadcast_in_dim3A_6, %scan3A_100 = %broadcast_in_dim3A_6, %scan3A_101 = %broadcast_in_dim3A_6, %scan3A_102 = %broadcast_in_dim3A_6) -> (vector<16xf32>, vector<16xf32>, vector<16xf32>, vector<16xf32>, vector<16xf32>, vector<16xf32>, vector<16xf32>, vector<16xf32>)  : i32 {
      %mul3A_103 = arith.constant 16 : i32
      %mul3A_104 = arith.muli %scan3A_94, %mul3A_103 : i32
      %get3A = arith.index_cast %mul3A_104 : i32 to index
      %get3A_105 = tpu.vector_load %arg5[%get3A] {strides = array<i32>} : memref<1024xf32, #tpu.memory_space<vmem>>, vector<16xf32>,
      %mul3A_106 = arith.constant 16 : i32
      %mul3A_107 = arith.muli %scan3A_94, %mul3A_106 : i32
      %get3A_108 = arith.index_cast %mul3A_107 : i32 to index
      %get3A_109 = tpu.vector_load %arg6[%get3A_108] {strides = array<i32>} : memref<1024xi32, #tpu.memory_space<vmem>>, vector<16xi32>,
      %eq3A_110 = arith.constant 0 : i32
      %eq3A_111 = vector.broadcast %eq3A_110 : i32 to vector<16xi32>
      %eq3A_112 = arith.cmpi eq, %get3A_109, %eq3A_111 : vector<16xi32>
      %jit3A = arith.constant 0.000000e+00 : f32
      %broadcast_in_dim3A_113 = vector.broadcast %jit3A : f32 to vector<16xf32>
      %select_n3A_114 = arith.select %eq3A_112, %get3A_105, %broadcast_in_dim3A_113 : vector<16xi1>, vector<16xf32>
      %add3A = arith.addf %scan3A_95, %select_n3A_114 : vector<16xf32>
      %jit3A_115 = arith.constant 1.000000e+00 : f32
      %jit3A_116 = arith.constant 0.000000e+00 : f32
      %broadcast_in_dim3A_117 = vector.broadcast %jit3A_115 : f32 to vector<16xf32>
      %broadcast_in_dim3A_118 = vector.broadcast %jit3A_116 : f32 to vector<16xf32>
      %select_n3A_119 = arith.select %eq3A_112, %broadcast_in_dim3A_117, %broadcast_in_dim3A_118 : vector<16xi1>, vector<16xf32>
      %add3A_120 = arith.addf %scan3A_99, %select_n3A_119 : vector<16xf32>
      %eq3A_121 = arith.constant 1 : i32
      %eq3A_122 = vector.broadcast %eq3A_121 : i32 to vector<16xi32>
      %eq3A_123 = arith.cmpi eq, %get3A_109, %eq3A_122 : vector<16xi32>
      %jit3A_124 = arith.constant 0.000000e+00 : f32
      %broadcast_in_dim3A_125 = vector.broadcast %jit3A_124 : f32 to vector<16xf32>
      %select_n3A_126 = arith.select %eq3A_123, %get3A_105, %broadcast_in_dim3A_125 : vector<16xi1>, vector<16xf32>
      %add3A_127 = arith.addf %scan3A_96, %select_n3A_126 : vector<16xf32>
      %jit3A_128 = arith.constant 1.000000e+00 : f32
      %jit3A_129 = arith.constant 0.000000e+00 : f32
      %broadcast_in_dim3A_130 = vector.broadcast %jit3A_128 : f32 to vector<16xf32>
      %broadcast_in_dim3A_131 = vector.broadcast %jit3A_129 : f32 to vector<16xf32>
      %select_n3A_132 = arith.select %eq3A_123, %broadcast_in_dim3A_130, %broadcast_in_dim3A_131 : vector<16xi1>, vector<16xf32>
      %add3A_133 = arith.addf %scan3A_100, %select_n3A_132 : vector<16xf32>
      %eq3A_134 = arith.constant 2 : i32
      %eq3A_135 = vector.broadcast %eq3A_134 : i32 to vector<16xi32>
      %eq3A_136 = arith.cmpi eq, %get3A_109, %eq3A_135 : vector<16xi32>
      %jit3A_137 = arith.constant 0.000000e+00 : f32
      %broadcast_in_dim3A_138 = vector.broadcast %jit3A_137 : f32 to vector<16xf32>
      %select_n3A_139 = arith.select %eq3A_136, %get3A_105, %broadcast_in_dim3A_138 : vector<16xi1>, vector<16xf32>
      %add3A_140 = arith.addf %scan3A_97, %select_n3A_139 : vector<16xf32>
      %jit3A_141 = arith.constant 1.000000e+00 : f32
      %jit3A_142 = arith.constant 0.000000e+00 : f32
      %broadcast_in_dim3A_143 = vector.broadcast %jit3A_141 : f32 to vector<16xf32>
      %broadcast_in_dim3A_144 = vector.broadcast %jit3A_142 : f32 to vector<16xf32>
      %select_n3A_145 = arith.select %eq3A_136, %broadcast_in_dim3A_143, %broadcast_in_dim3A_144 : vector<16xi1>, vector<16xf32>
      %add3A_146 = arith.addf %scan3A_101, %select_n3A_145 : vector<16xf32>
      %eq3A_147 = arith.constant 3 : i32
      %eq3A_148 = vector.broadcast %eq3A_147 : i32 to vector<16xi32>
      %eq3A_149 = arith.cmpi eq, %get3A_109, %eq3A_148 : vector<16xi32>
      %jit3A_150 = arith.constant 0.000000e+00 : f32
      %broadcast_in_dim3A_151 = vector.broadcast %jit3A_150 : f32 to vector<16xf32>
      %select_n3A_152 = arith.select %eq3A_149, %get3A_105, %broadcast_in_dim3A_151 : vector<16xi1>, vector<16xf32>
      %add3A_153 = arith.addf %scan3A_98, %select_n3A_152 : vector<16xf32>
      %jit3A_154 = arith.constant 1.000000e+00 : f32
      %jit3A_155 = arith.constant 0.000000e+00 : f32
      %broadcast_in_dim3A_156 = vector.broadcast %jit3A_154 : f32 to vector<16xf32>
      %broadcast_in_dim3A_157 = vector.broadcast %jit3A_155 : f32 to vector<16xf32>
      %select_n3A_158 = arith.select %eq3A_149, %broadcast_in_dim3A_156, %broadcast_in_dim3A_157 : vector<16xi1>, vector<16xf32>
      %add3A_159 = arith.addf %scan3A_102, %select_n3A_158 : vector<16xf32>
      scf.yield %add3A, %add3A_127, %add3A_140, %add3A_153, %add3A_120, %add3A_133, %add3A_146, %add3A_159 : vector<16xf32>, vector<16xf32>, vector<16xf32>, vector<16xf32>, vector<16xf32>, vector<16xf32>, vector<16xf32>, vector<16xf32>
    }
    %scan3A_14 = arith.constant 64 : i32
    %iota3A = tpu.iota {dimensions = array<i32: 0>} : vector<16xi32>
    %eq3A = arith.constant 0 : i32
    %eq3A_15 = vector.broadcast %eq3A : i32 to vector<16xi32>
    %eq3A_16 = arith.cmpi eq, %iota3A, %eq3A_15 : vector<16xi32>
    %reduce_sum3A = arith.constant true
    %reduce_sum3A_17 = vector.broadcast %reduce_sum3A : i1 to vector<16xi1>
    %reduce_sum3A_18 = tpu.scan <sum>, %scan3A_13#0 masked %reduce_sum3A_17 : vector<16xf32>, vector<16xi1> -> vector<16xf32>
    %reduce_sum3A_19 = vector.extract %reduce_sum3A_18[15] : f32 from vector<16xf32>
    %broadcast_in_dim3A_20 = vector.broadcast %reduce_sum3A_19 : f32 to vector<16xf32>
    %select_n3A = arith.select %eq3A_16, %broadcast_in_dim3A_20, %broadcast_in_dim3A_6 : vector<16xi1>, vector<16xf32>
    %eq3A_21 = arith.constant 0 : i32
    %eq3A_22 = vector.broadcast %eq3A_21 : i32 to vector<16xi32>
    %eq3A_23 = arith.cmpi eq, %iota3A, %eq3A_22 : vector<16xi32>
    %reduce_sum3A_24 = arith.constant true
    %reduce_sum3A_25 = vector.broadcast %reduce_sum3A_24 : i1 to vector<16xi1>
    %reduce_sum3A_26 = tpu.scan <sum>, %scan3A_13#4 masked %reduce_sum3A_25 : vector<16xf32>, vector<16xi1> -> vector<16xf32>
    %reduce_sum3A_27 = vector.extract %reduce_sum3A_26[15] : f32 from vector<16xf32>
    %broadcast_in_dim3A_28 = vector.broadcast %reduce_sum3A_27 : f32 to vector<16xf32>
    %select_n3A_29 = arith.select %eq3A_23, %broadcast_in_dim3A_28, %broadcast_in_dim3A_6 : vector<16xi1>, vector<16xf32>
    %eq3A_30 = arith.constant 1 : i32
    %eq3A_31 = vector.broadcast %eq3A_30 : i32 to vector<16xi32>
    %eq3A_32 = arith.cmpi eq, %iota3A, %eq3A_31 : vector<16xi32>
    %reduce_sum3A_33 = arith.constant true
    %reduce_sum3A_34 = vector.broadcast %reduce_sum3A_33 : i1 to vector<16xi1>
    %reduce_sum3A_35 = tpu.scan <sum>, %scan3A_13#1 masked %reduce_sum3A_34 : vector<16xf32>, vector<16xi1> -> vector<16xf32>
    %reduce_sum3A_36 = vector.extract %reduce_sum3A_35[15] : f32 from vector<16xf32>
    %broadcast_in_dim3A_37 = vector.broadcast %reduce_sum3A_36 : f32 to vector<16xf32>
    %select_n3A_38 = arith.select %eq3A_32, %broadcast_in_dim3A_37, %select_n3A : vector<16xi1>, vector<16xf32>
    %eq3A_39 = arith.constant 1 : i32
    %eq3A_40 = vector.broadcast %eq3A_39 : i32 to vector<16xi32>
    %eq3A_41 = arith.cmpi eq, %iota3A, %eq3A_40 : vector<16xi32>
    %reduce_sum3A_42 = arith.constant true
    %reduce_sum3A_43 = vector.broadcast %reduce_sum3A_42 : i1 to vector<16xi1>
    %reduce_sum3A_44 = tpu.scan <sum>, %scan3A_13#5 masked %reduce_sum3A_43 : vector<16xf32>, vector<16xi1> -> vector<16xf32>
    %reduce_sum3A_45 = vector.extract %reduce_sum3A_44[15] : f32 from vector<16xf32>
    %broadcast_in_dim3A_46 = vector.broadcast %reduce_sum3A_45 : f32 to vector<16xf32>
    %select_n3A_47 = arith.select %eq3A_41, %broadcast_in_dim3A_46, %select_n3A_29 : vector<16xi1>, vector<16xf32>
    %eq3A_48 = arith.constant 2 : i32
    %eq3A_49 = vector.broadcast %eq3A_48 : i32 to vector<16xi32>
    %eq3A_50 = arith.cmpi eq, %iota3A, %eq3A_49 : vector<16xi32>
    %reduce_sum3A_51 = arith.constant true
    %reduce_sum3A_52 = vector.broadcast %reduce_sum3A_51 : i1 to vector<16xi1>
    %reduce_sum3A_53 = tpu.scan <sum>, %scan3A_13#2 masked %reduce_sum3A_52 : vector<16xf32>, vector<16xi1> -> vector<16xf32>
    %reduce_sum3A_54 = vector.extract %reduce_sum3A_53[15] : f32 from vector<16xf32>
    %broadcast_in_dim3A_55 = vector.broadcast %reduce_sum3A_54 : f32 to vector<16xf32>
    %select_n3A_56 = arith.select %eq3A_50, %broadcast_in_dim3A_55, %select_n3A_38 : vector<16xi1>, vector<16xf32>
    %eq3A_57 = arith.constant 2 : i32
    %eq3A_58 = vector.broadcast %eq3A_57 : i32 to vector<16xi32>
    %eq3A_59 = arith.cmpi eq, %iota3A, %eq3A_58 : vector<16xi32>
    %reduce_sum3A_60 = arith.constant true
    %reduce_sum3A_61 = vector.broadcast %reduce_sum3A_60 : i1 to vector<16xi1>
    %reduce_sum3A_62 = tpu.scan <sum>, %scan3A_13#6 masked %reduce_sum3A_61 : vector<16xf32>, vector<16xi1> -> vector<16xf32>
    %reduce_sum3A_63 = vector.extract %reduce_sum3A_62[15] : f32 from vector<16xf32>
    %broadcast_in_dim3A_64 = vector.broadcast %reduce_sum3A_63 : f32 to vector<16xf32>
    %select_n3A_65 = arith.select %eq3A_59, %broadcast_in_dim3A_64, %select_n3A_47 : vector<16xi1>, vector<16xf32>
    %eq3A_66 = arith.constant 3 : i32
    %eq3A_67 = vector.broadcast %eq3A_66 : i32 to vector<16xi32>
    %eq3A_68 = arith.cmpi eq, %iota3A, %eq3A_67 : vector<16xi32>
    %reduce_sum3A_69 = arith.constant true
    %reduce_sum3A_70 = vector.broadcast %reduce_sum3A_69 : i1 to vector<16xi1>
    %reduce_sum3A_71 = tpu.scan <sum>, %scan3A_13#3 masked %reduce_sum3A_70 : vector<16xf32>, vector<16xi1> -> vector<16xf32>
    %reduce_sum3A_72 = vector.extract %reduce_sum3A_71[15] : f32 from vector<16xf32>
    %broadcast_in_dim3A_73 = vector.broadcast %reduce_sum3A_72 : f32 to vector<16xf32>
    %select_n3A_74 = arith.select %eq3A_68, %broadcast_in_dim3A_73, %select_n3A_56 : vector<16xi1>, vector<16xf32>
    %eq3A_75 = arith.constant 3 : i32
    %eq3A_76 = vector.broadcast %eq3A_75 : i32 to vector<16xi32>
    %eq3A_77 = arith.cmpi eq, %iota3A, %eq3A_76 : vector<16xi32>
    %reduce_sum3A_78 = arith.constant true
    %reduce_sum3A_79 = vector.broadcast %reduce_sum3A_78 : i1 to vector<16xi1>
    %reduce_sum3A_80 = tpu.scan <sum>, %scan3A_13#7 masked %reduce_sum3A_79 : vector<16xf32>, vector<16xi1> -> vector<16xf32>
    %reduce_sum3A_81 = vector.extract %reduce_sum3A_80[15] : f32 from vector<16xf32>
    %broadcast_in_dim3A_82 = vector.broadcast %reduce_sum3A_81 : f32 to vector<16xf32>
    %select_n3A_83 = arith.select %eq3A_77, %broadcast_in_dim3A_82, %select_n3A_65 : vector<16xi1>, vector<16xf32>
    %swap3A = arith.constant 0 : index
    %swap3A_84 = tpu.vector_load %arg7[%swap3A] {strides = array<i32>} : memref<32xf32, #tpu.memory_space<vmem>>, vector<16xf32>,
    tpu.vector_store %arg7[%swap3A], %select_n3A_74 {strides = array<i32>} : memref<32xf32, #tpu.memory_space<vmem>>, vector<16xf32>,
    %swap3A_85 = arith.constant 16 : index
    %swap3A_86 = tpu.vector_load %arg7[%swap3A_85] {strides = array<i32>} : memref<32xf32, #tpu.memory_space<vmem>>, vector<16xf32>,
    tpu.vector_store %arg7[%swap3A_85], %select_n3A_83 {strides = array<i32>} : memref<32xf32, #tpu.memory_space<vmem>>, vector<16xf32>,
    %mul3A_87 = arith.constant 2 : i32
    %mul3A_88 = arith.muli %arg1, %mul3A_87 : i32
    %mul3A_89 = arith.constant 16 : i32
    %mul3A_90 = arith.muli %mul3A_88, %mul3A_89 : i32
    "tpu.region"() ({
      %run_scoped3A = tpu.sem_alloc : memref<!tpu.dma_semaphore, #tpu.memory_space<semaphore_mem>>
      %dma_start3A_94 = tpu.memref_slice %arg8[%mul3A_90] : memref<512xf32, #tpu.memory_space<vmem_shared>> -> memref<32xf32, #tpu.memory_space<vmem_shared>>
      %dma_start3A_95 = tpu.memref_slice %arg8[%mul3A_90] : memref<512xf32, #tpu.memory_space<vmem_shared>> -> memref<32xf32, #tpu.memory_space<vmem_shared>>
      tpu.enqueue_dma source(%arg7 : memref<32xf32, #tpu.memory_space<vmem>>) target(%dma_start3A_95 : memref<32xf32, #tpu.memory_space<vmem_shared>>) target_semaphore(%run_scoped3A : memref<!tpu.dma_semaphore, #tpu.memory_space<semaphore_mem>>)
      %dma_wait3A_96 = tpu.memref_slice %arg8[%mul3A_90] : memref<512xf32, #tpu.memory_space<vmem_shared>> -> memref<32xf32, #tpu.memory_space<vmem_shared>>
      %dma_wait3A_97 = tpu.memref_slice %arg8[%mul3A_90] : memref<512xf32, #tpu.memory_space<vmem_shared>> -> memref<32xf32, #tpu.memory_space<vmem_shared>>
      tpu.wait_dma2 semaphore(%run_scoped3A : memref<!tpu.dma_semaphore, #tpu.memory_space<semaphore_mem>>) src(%arg7 : memref<32xf32, #tpu.memory_space<vmem>>) dst(%dma_wait3A_97 : memref<32xf32, #tpu.memory_space<vmem_shared>>)
      tpu.yield
    }) : () -> ()
    %barrier3A = arith.constant 0 : index
    tpu.barrier barrier_id(%barrier3A)
    %eq3A_91 = arith.constant 0 : i32
    %eq3A_92 = arith.cmpi eq, %arg1, %eq3A_91 : i32
    %convert_element_type3A = arith.extui %eq3A_92 : i1 to i32
    %cond3A = arith.constant 0 : i32
    %cond3A_93 = arith.cmpi ne, %convert_element_type3A, %cond3A : i32
    scf.if %cond3A_93 {
      "tpu.region"() ({
        %run_scoped3A = tpu.sem_alloc : memref<!tpu.dma_semaphore, #tpu.memory_space<semaphore_mem>>
        %dma_start3A_204 = arith.constant 0 : i32
        %dma_start3A_205 = tpu.memref_slice %arg5[%dma_start3A_204] : memref<1024xf32, #tpu.memory_space<vmem>> -> memref<512xf32, #tpu.memory_space<vmem>>
        %dma_start3A_206 = arith.constant 0 : i32
        %dma_start3A_207 = tpu.memref_slice %arg5[%dma_start3A_206] : memref<1024xf32, #tpu.memory_space<vmem>> -> memref<512xf32, #tpu.memory_space<vmem>>
        tpu.enqueue_dma source(%arg8 : memref<512xf32, #tpu.memory_space<vmem_shared>>) target(%dma_start3A_207 : memref<512xf32, #tpu.memory_space<vmem>>) target_semaphore(%run_scoped3A : memref<!tpu.dma_semaphore, #tpu.memory_space<semaphore_mem>>)
        %dma_wait3A_208 = arith.constant 0 : i32
        %dma_wait3A_209 = tpu.memref_slice %arg5[%dma_wait3A_208] : memref<1024xf32, #tpu.memory_space<vmem>> -> memref<512xf32, #tpu.memory_space<vmem>>
        %dma_wait3A_210 = arith.constant 0 : i32
        %dma_wait3A_211 = tpu.memref_slice %arg5[%dma_wait3A_210] : memref<1024xf32, #tpu.memory_space<vmem>> -> memref<512xf32, #tpu.memory_space<vmem>>
        tpu.wait_dma2 semaphore(%run_scoped3A : memref<!tpu.dma_semaphore, #tpu.memory_space<semaphore_mem>>) src(%arg8 : memref<512xf32, #tpu.memory_space<vmem_shared>>) dst(%dma_wait3A_211 : memref<512xf32, #tpu.memory_space<vmem>>)
        tpu.yield
      }) : () -> ()
      %get3A = arith.constant 0 : index
      %get3A_94 = tpu.vector_load %arg5[%get3A] {strides = array<i32>} : memref<1024xf32, #tpu.memory_space<vmem>>, vector<16xf32>,
      %add3A = arith.addf %broadcast_in_dim3A_6, %get3A_94 : vector<16xf32>
      %get3A_95 = arith.constant 16 : index
      %get3A_96 = tpu.vector_load %arg5[%get3A_95] {strides = array<i32>} : memref<1024xf32, #tpu.memory_space<vmem>>, vector<16xf32>,
      %add3A_97 = arith.addf %broadcast_in_dim3A_6, %get3A_96 : vector<16xf32>
      %get3A_98 = arith.constant 32 : index
      %get3A_99 = tpu.vector_load %arg5[%get3A_98] {strides = array<i32>} : memref<1024xf32, #tpu.memory_space<vmem>>, vector<16xf32>,
      %add3A_100 = arith.addf %add3A, %get3A_99 : vector<16xf32>
      %get3A_101 = arith.constant 48 : index
      %get3A_102 = tpu.vector_load %arg5[%get3A_101] {strides = array<i32>} : memref<1024xf32, #tpu.memory_space<vmem>>, vector<16xf32>,
      %add3A_103 = arith.addf %add3A_97, %get3A_102 : vector<16xf32>
      %get3A_104 = arith.constant 64 : index
      %get3A_105 = tpu.vector_load %arg5[%get3A_104] {strides = array<i32>} : memref<1024xf32, #tpu.memory_space<vmem>>, vector<16xf32>,
      %add3A_106 = arith.addf %add3A_100, %get3A_105 : vector<16xf32>
      %get3A_107 = arith.constant 80 : index
      %get3A_108 = tpu.vector_load %arg5[%get3A_107] {strides = array<i32>} : memref<1024xf32, #tpu.memory_space<vmem>>, vector<16xf32>,
      %add3A_109 = arith.addf %add3A_103, %get3A_108 : vector<16xf32>
      %get3A_110 = arith.constant 96 : index
      %get3A_111 = tpu.vector_load %arg5[%get3A_110] {strides = array<i32>} : memref<1024xf32, #tpu.memory_space<vmem>>, vector<16xf32>,
      %add3A_112 = arith.addf %add3A_106, %get3A_111 : vector<16xf32>
      %get3A_113 = arith.constant 112 : index
      %get3A_114 = tpu.vector_load %arg5[%get3A_113] {strides = array<i32>} : memref<1024xf32, #tpu.memory_space<vmem>>, vector<16xf32>,
      %add3A_115 = arith.addf %add3A_109, %get3A_114 : vector<16xf32>
      %get3A_116 = arith.constant 128 : index
      %get3A_117 = tpu.vector_load %arg5[%get3A_116] {strides = array<i32>} : memref<1024xf32, #tpu.memory_space<vmem>>, vector<16xf32>,
      %add3A_118 = arith.addf %add3A_112, %get3A_117 : vector<16xf32>
      %get3A_119 = arith.constant 144 : index
      %get3A_120 = tpu.vector_load %arg5[%get3A_119] {strides = array<i32>} : memref<1024xf32, #tpu.memory_space<vmem>>, vector<16xf32>,
      %add3A_121 = arith.addf %add3A_115, %get3A_120 : vector<16xf32>
      %get3A_122 = arith.constant 160 : index
      %get3A_123 = tpu.vector_load %arg5[%get3A_122] {strides = array<i32>} : memref<1024xf32, #tpu.memory_space<vmem>>, vector<16xf32>,
      %add3A_124 = arith.addf %add3A_118, %get3A_123 : vector<16xf32>
      %get3A_125 = arith.constant 176 : index
      %get3A_126 = tpu.vector_load %arg5[%get3A_125] {strides = array<i32>} : memref<1024xf32, #tpu.memory_space<vmem>>, vector<16xf32>,
      %add3A_127 = arith.addf %add3A_121, %get3A_126 : vector<16xf32>
      %get3A_128 = arith.constant 192 : index
      %get3A_129 = tpu.vector_load %arg5[%get3A_128] {strides = array<i32>} : memref<1024xf32, #tpu.memory_space<vmem>>, vector<16xf32>,
      %add3A_130 = arith.addf %add3A_124, %get3A_129 : vector<16xf32>
      %get3A_131 = arith.constant 208 : index
      %get3A_132 = tpu.vector_load %arg5[%get3A_131] {strides = array<i32>} : memref<1024xf32, #tpu.memory_space<vmem>>, vector<16xf32>,
      %add3A_133 = arith.addf %add3A_127, %get3A_132 : vector<16xf32>
      %get3A_134 = arith.constant 224 : index
      %get3A_135 = tpu.vector_load %arg5[%get3A_134] {strides = array<i32>} : memref<1024xf32, #tpu.memory_space<vmem>>, vector<16xf32>,
      %add3A_136 = arith.addf %add3A_130, %get3A_135 : vector<16xf32>
      %get3A_137 = arith.constant 240 : index
      %get3A_138 = tpu.vector_load %arg5[%get3A_137] {strides = array<i32>} : memref<1024xf32, #tpu.memory_space<vmem>>, vector<16xf32>,
      %add3A_139 = arith.addf %add3A_133, %get3A_138 : vector<16xf32>
      %get3A_140 = arith.constant 256 : index
      %get3A_141 = tpu.vector_load %arg5[%get3A_140] {strides = array<i32>} : memref<1024xf32, #tpu.memory_space<vmem>>, vector<16xf32>,
      %add3A_142 = arith.addf %add3A_136, %get3A_141 : vector<16xf32>
      %get3A_143 = arith.constant 272 : index
      %get3A_144 = tpu.vector_load %arg5[%get3A_143] {strides = array<i32>} : memref<1024xf32, #tpu.memory_space<vmem>>, vector<16xf32>,
      %add3A_145 = arith.addf %add3A_139, %get3A_144 : vector<16xf32>
      %get3A_146 = arith.constant 288 : index
      %get3A_147 = tpu.vector_load %arg5[%get3A_146] {strides = array<i32>} : memref<1024xf32, #tpu.memory_space<vmem>>, vector<16xf32>,
      %add3A_148 = arith.addf %add3A_142, %get3A_147 : vector<16xf32>
      %get3A_149 = arith.constant 304 : index
      %get3A_150 = tpu.vector_load %arg5[%get3A_149] {strides = array<i32>} : memref<1024xf32, #tpu.memory_space<vmem>>, vector<16xf32>,
      %add3A_151 = arith.addf %add3A_145, %get3A_150 : vector<16xf32>
      %get3A_152 = arith.constant 320 : index
      %get3A_153 = tpu.vector_load %arg5[%get3A_152] {strides = array<i32>} : memref<1024xf32, #tpu.memory_space<vmem>>, vector<16xf32>,
      %add3A_154 = arith.addf %add3A_148, %get3A_153 : vector<16xf32>
      %get3A_155 = arith.constant 336 : index
      %get3A_156 = tpu.vector_load %arg5[%get3A_155] {strides = array<i32>} : memref<1024xf32, #tpu.memory_space<vmem>>, vector<16xf32>,
      %add3A_157 = arith.addf %add3A_151, %get3A_156 : vector<16xf32>
      %get3A_158 = arith.constant 352 : index
      %get3A_159 = tpu.vector_load %arg5[%get3A_158] {strides = array<i32>} : memref<1024xf32, #tpu.memory_space<vmem>>, vector<16xf32>,
      %add3A_160 = arith.addf %add3A_154, %get3A_159 : vector<16xf32>
      %get3A_161 = arith.constant 368 : index
      %get3A_162 = tpu.vector_load %arg5[%get3A_161] {strides = array<i32>} : memref<1024xf32, #tpu.memory_space<vmem>>, vector<16xf32>,
      %add3A_163 = arith.addf %add3A_157, %get3A_162 : vector<16xf32>
      %get3A_164 = arith.constant 384 : index
      %get3A_165 = tpu.vector_load %arg5[%get3A_164] {strides = array<i32>} : memref<1024xf32, #tpu.memory_space<vmem>>, vector<16xf32>,
      %add3A_166 = arith.addf %add3A_160, %get3A_165 : vector<16xf32>
      %get3A_167 = arith.constant 400 : index
      %get3A_168 = tpu.vector_load %arg5[%get3A_167] {strides = array<i32>} : memref<1024xf32, #tpu.memory_space<vmem>>, vector<16xf32>,
      %add3A_169 = arith.addf %add3A_163, %get3A_168 : vector<16xf32>
      %get3A_170 = arith.constant 416 : index
      %get3A_171 = tpu.vector_load %arg5[%get3A_170] {strides = array<i32>} : memref<1024xf32, #tpu.memory_space<vmem>>, vector<16xf32>,
      %add3A_172 = arith.addf %add3A_166, %get3A_171 : vector<16xf32>
      %get3A_173 = arith.constant 432 : index
      %get3A_174 = tpu.vector_load %arg5[%get3A_173] {strides = array<i32>} : memref<1024xf32, #tpu.memory_space<vmem>>, vector<16xf32>,
      %add3A_175 = arith.addf %add3A_169, %get3A_174 : vector<16xf32>
      %get3A_176 = arith.constant 448 : index
      %get3A_177 = tpu.vector_load %arg5[%get3A_176] {strides = array<i32>} : memref<1024xf32, #tpu.memory_space<vmem>>, vector<16xf32>,
      %add3A_178 = arith.addf %add3A_172, %get3A_177 : vector<16xf32>
      %get3A_179 = arith.constant 464 : index
      %get3A_180 = tpu.vector_load %arg5[%get3A_179] {strides = array<i32>} : memref<1024xf32, #tpu.memory_space<vmem>>, vector<16xf32>,
      %add3A_181 = arith.addf %add3A_175, %get3A_180 : vector<16xf32>
      %get3A_182 = arith.constant 480 : index
      %get3A_183 = tpu.vector_load %arg5[%get3A_182] {strides = array<i32>} : memref<1024xf32, #tpu.memory_space<vmem>>, vector<16xf32>,
      %add3A_184 = arith.addf %add3A_178, %get3A_183 : vector<16xf32>
      %get3A_185 = arith.constant 496 : index
      %get3A_186 = tpu.vector_load %arg5[%get3A_185] {strides = array<i32>} : memref<1024xf32, #tpu.memory_space<vmem>>, vector<16xf32>,
      %add3A_187 = arith.addf %add3A_181, %get3A_186 : vector<16xf32>
      %div3A = arith.divf %add3A_184, %add3A_187 : vector<16xf32>
      %slice3A = vector.extract_strided_slice %div3A {offsets = [0], sizes = [1], strides = [1]} : vector<16xf32> to vector<1xf32>
      %squeeze3A = vector.extract %slice3A[0] : f32 from vector<1xf32>
      %slice3A_188 = vector.extract_strided_slice %div3A {offsets = [1], sizes = [1], strides = [1]} : vector<16xf32> to vector<1xf32>
      %squeeze3A_189 = vector.extract %slice3A_188[0] : f32 from vector<1xf32>
      %slice3A_190 = vector.extract_strided_slice %div3A {offsets = [2], sizes = [1], strides = [1]} : vector<16xf32> to vector<1xf32>
      %squeeze3A_191 = vector.extract %slice3A_190[0] : f32 from vector<1xf32>
      %slice3A_192 = vector.extract_strided_slice %div3A {offsets = [3], sizes = [1], strides = [1]} : vector<16xf32> to vector<1xf32>
      %squeeze3A_193 = vector.extract %slice3A_192[0] : f32 from vector<1xf32>
      %max3A = arith.maximumf %squeeze3A, %squeeze3A_189 : f32
      %min3A = arith.minimumf %squeeze3A, %squeeze3A_189 : f32
      %max3A_194 = arith.maximumf %max3A, %squeeze3A_191 : f32
      %min3A_195 = arith.minimumf %min3A, %squeeze3A_191 : f32
      %max3A_196 = arith.maximumf %max3A_194, %squeeze3A_193 : f32
      %min3A_197 = arith.minimumf %min3A_195, %squeeze3A_193 : f32
      %sub3A = arith.subf %max3A_196, %min3A_197 : f32
      %mul3A_198 = arith.mulf %sub3A, %sub3A : f32
      %max3A_199 = arith.constant 0.000000e+00 : f32
      %max3A_200 = arith.maximumf %max3A_199, %mul3A_198 : f32
      %broadcast_in_dim3A_201 = vector.broadcast %max3A_200 : f32 to vector<16xf32>
      %swap3A_202 = arith.constant 0 : index
      %swap3A_203 = tpu.vector_load %arg7[%swap3A_202] {strides = array<i32>} : memref<32xf32, #tpu.memory_space<vmem>>, vector<16xf32>,
      tpu.vector_store %arg7[%swap3A_202], %broadcast_in_dim3A_201 {strides = array<i32>} : memref<32xf32, #tpu.memory_space<vmem>>, vector<16xf32>,
      "tpu.region"() ({
        %run_scoped3A = tpu.sem_alloc : memref<!tpu.dma_semaphore, #tpu.memory_space<semaphore_mem>>
        %dma_start3A_204 = arith.constant 0 : i32
        %dma_start3A_205 = tpu.memref_slice %arg7[%dma_start3A_204] : memref<32xf32, #tpu.memory_space<vmem>> -> memref<16xf32, #tpu.memory_space<vmem>>
        %dma_start3A_206 = arith.constant 0 : i32
        %dma_start3A_207 = tpu.memref_slice %arg7[%dma_start3A_206] : memref<32xf32, #tpu.memory_space<vmem>> -> memref<16xf32, #tpu.memory_space<vmem>>
        tpu.enqueue_dma source(%dma_start3A_207 : memref<16xf32, #tpu.memory_space<vmem>>) target(%arg4 : memref<16xf32, #tpu.memory_space<hbm>>) target_semaphore(%run_scoped3A : memref<!tpu.dma_semaphore, #tpu.memory_space<semaphore_mem>>)
        %dma_wait3A_208 = arith.constant 0 : i32
        %dma_wait3A_209 = tpu.memref_slice %arg7[%dma_wait3A_208] : memref<32xf32, #tpu.memory_space<vmem>> -> memref<16xf32, #tpu.memory_space<vmem>>
        %dma_wait3A_210 = arith.constant 0 : i32
        %dma_wait3A_211 = tpu.memref_slice %arg7[%dma_wait3A_210] : memref<32xf32, #tpu.memory_space<vmem>> -> memref<16xf32, #tpu.memory_space<vmem>>
        tpu.wait_dma2 semaphore(%run_scoped3A : memref<!tpu.dma_semaphore, #tpu.memory_space<semaphore_mem>>) src(%dma_wait3A_211 : memref<16xf32, #tpu.memory_space<vmem>>) dst(%arg4 : memref<16xf32, #tpu.memory_space<hbm>>)
        tpu.yield
      }) : () -> ()
    } else {
    }
    return
  }
}

</mosaic_0001>

<sc_bundles>
// kernel: kernel.3.cloned.1.call-start
scs
__scs_entry_jumppad:
0x0: {  	(pc) =	sbr.rel $0x88, $3  }
0x1: {  	(tag) =	ssettag $0x0;
	lr =	simm.s32 $0x1  }
0x2: {  	[smem:$0x3F9F] =	sst lr;
	_ =	strace $0xD0000000  }
0x3: {  	_ = 	snop  }
0x4: {  	_ = 	snop  }
0x5: {  	_ = 	snop  }
0x6: {  	_ = 	snop  }
0x7: {  	_ = 	snop  }
__scs_overlays_trampoline_lowered:
0x8: {  	[smem:$0x3FAE] =	sst s0  }
0x9: {  	[smem:$0x3FAF] =	sst s1  }
0xa: {  	[smem:$0x3FB0] =	sst s2  }
0xb: {  	[smem:$0x3FB1] =	sst s3  }
0xc: {  	[smem:$0x3FB2] =	sst s4  }
0xd: {  	[smem:$0x3FB3] =	sst s5  }
0xe: {  	[smem:$0x3FB4] =	sst s6  }
0xf: {  	[smem:$0x3FB5] =	sst s7  }
0x10: {  	[smem:$0x3FB6] =	sst s8  }
0x11: {  	[smem:$0x3FB7] =	sst s9;
	s0 =	simm.s32 @!p0 $0x0  }
0x12: {  	s1 =	sld [smem:$0x3F9D];
	s0 =	simm.s32 @p0 $0x1  }
0x13: {  	[smem:$0x3FB8] =	sst s0;
	s0 =	simm.s32 @!p1 $0x0  }
0x14: {  	s2 =	sld [smem:$0x3F9C];
	s0 =	simm.s32 @p1 $0x1  }
0x15: {  	[smem:$0x3FB9] =	sst s0;
	s0 =	simm.s32 @!p2 $0x0  }
0x16: {  	s3 =	sld [smem:$0x3FDB];
	s0 =	simm.s32 @p2 $0x1  }
0x17: {  	s4 =	simm.s32 $0x1BF5;
	[smem:$0x3FBB] =	sst s0  }
0x18: {  	s0 =	sld [smem:$0x3F9E];
	_ =	swait.ge [sflag:s4], $0x0  }
0x19: {  	s7 =	sld [smem:$0x3F9F]  }
0x1a: {  	s8 =	sadd.s32 $0xFFFFE003, lr  }
0x1b: {  	s9 =	sadd.s32 $0xFFFFFEF7, lr;
	s5 =	simm.s32 $0xFFFFFFFF;
	p2 =	slt.u32 s8, $0xFFFFF086  }
0x1c: {  	p1 =	slt.u32 s9, $0xF7A;
	s5 =	simm.s32 @!p2 $0x0  }
0x1d: {  	s5 =	simm.s32 @p1 $0x1;
	p0 =	seq.s32 s7, s2  }
0x1e: {  	s7 =	smul.u32 @!p0 $0xF7A, s2;
	p2 =	seq.s32 @!p0 s5, $0x0  }
0x1f: {  	s9 =	smul.u32 $0xF7A, s1;
	s8 =	simm.s32 @!p0 $0x1BF5;
	p2 =	por !p2, p0  }
0x20: {  	[sflag:s8] =	ssyncset.s32 @!p0 $0xFFFFF086;
	s6 =	sadd.s32 @!p0 s3, s7;
	s7 =	simm.s32 @!p0 $0x108  }
0x21: {  	s3 =	sadd.s32 s3, s9;
	s6 =	sadd.s32 @!p0 $0x88, s6;
	s7 =	simm.s32 @p2 $0x1082  }
0x22: {  	[simem:s7], [sflag:s8] =	dma.local @!p0 [hbm:s6], $0xF7A  }
0x23: {  	s9 =	sor.u32 $0xD0000000, s2;
	s6 =	simm.s32 $0x108;
	_ =	swait.ge @!p0 [sflag:s8], $0x0  }
0x24: {  	s3 =	sadd.s32 $0x88, s3;
	s6 =	simm.s32 @!p1 $0x1082;
	[sflag:s4] =	ssyncset.s32 $0xFFFFF086  }
0x25: {  	[simem:s6], [sflag:s4] =	dma.local [hbm:s3], $0xF7A  }
0x26: {  	[smem:$0x3F9F] =	sst s1;
	(tag) =	ssettag s2;
	_ =	strace s9  }
0x27: {  	s1 =	sld [smem:$0x3FAF]  }
0x28: {  	s2 =	sld [smem:$0x3FB0]  }
0x29: {  	s4 =	sld [smem:$0x3FB2]  }
0x2a: {  	p0 =	seq.s32 s5, $0x0;
	s5 =	sld [smem:$0x3FB3]  }
0x2b: {  	s6 =	sld [smem:$0x3FB4]  }
0x2c: {  	s7 =	sld [smem:$0x3FB5]  }
0x2d: {  	s3 =	simm.s32 $0x108;
	s8 =	sld [smem:$0x3FB6]  }
0x2e: {  	s3 =	simm.s32 @!p0 $0x1082;
	s9 =	sld [smem:$0x3FB7]  }
0x2f: {  	lr =	sadd.s32 s0, s3;
	s0 =	sld [smem:$0x3FAE]  }
0x30: {  	s3 =	sld [smem:$0x3FB1]  }
0x31: {  	[smem:$0x3FBA] =	sst s10  }
0x32: {  	s10 =	sld [smem:$0x3FB8];
	_ =	sdelay $0x3  }
0x33: {  	p0 =	seq.s32 s10, $0x1;
	s10 =	sld [smem:$0x3FBA];
	_ =	sdelay $0x3  }
0x34: {  	[smem:$0x3FBA] =	sst s10  }
0x35: {  	s10 =	sld [smem:$0x3FB9];
	_ =	sdelay $0x3  }
0x36: {  	p1 =	seq.s32 s10, $0x1;
	s10 =	sld [smem:$0x3FBA];
	_ =	sdelay $0x3  }
0x37: {  	[smem:$0x3FBA] =	sst s10  }
0x38: {  	s10 =	sld [smem:$0x3FBB]  }
0x39: {  	_ = 	snop;
	(pc) =	sbr.ind lr, $3  }
0x3a: {  	_ = 	snop  }
0x3b: {  	_ = 	snop  }
0x3c: {  	p2 =	seq.s32 s10, $0x1;
	s10 =	sld [smem:$0x3FBA]  }
0x3d: {  	_ =	shalt  }
0x3e: {  	_ =	shalt  }
0x3f: {  	_ =	shalt  }
0x40: {  	_ =	shalt  }
0x41: {  	_ =	shalt  }
0x42: {  	_ =	shalt  }
0x43: {  	_ =	shalt  }
0x44: {  	_ =	shalt  }
0x45: {  	_ =	shalt  }
0x46: {  	_ =	shalt  }
0x47: {  	_ =	shalt  }
0x48: {  	_ =	shalt  }
0x49: {  	_ =	shalt  }
0x4a: {  	_ =	shalt  }
0x4b: {  	_ =	shalt  }
0x4c: {  	_ =	shalt  }
0x4d: {  	_ =	shalt  }
0x4e: {  	_ =	shalt  }
0x4f: {  	_ =	shalt  }
0x50: {  	_ =	shalt  }
0x51: {  	_ =	shalt  }
0x52: {  	_ =	shalt  }
0x53: {  	_ =	shalt  }
0x54: {  	_ =	shalt  }
0x55: {  	_ =	shalt  }
0x56: {  	_ =	shalt  }
0x57: {  	_ =	shalt  }
0x58: {  	_ =	shalt  }
0x59: {  	_ =	shalt  }
0x5a: {  	_ =	shalt  }
0x5b: {  	_ =	shalt  }
0x5c: {  	_ =	shalt  }
0x5d: {  	_ =	shalt  }
0x5e: {  	_ =	shalt  }
0x5f: {  	_ =	shalt  }
0x60: {  	_ =	shalt  }
0x61: {  	_ =	shalt  }
0x62: {  	_ =	shalt  }
0x63: {  	_ =	shalt  }
0x64: {  	_ =	shalt  }
0x65: {  	_ =	shalt  }
0x66: {  	_ =	shalt  }
0x67: {  	_ =	shalt  }
0x68: {  	_ =	shalt  }
0x69: {  	_ =	shalt  }
0x6a: {  	_ =	shalt  }
0x6b: {  	_ =	shalt  }
0x6c: {  	_ =	shalt  }
0x6d: {  	_ =	shalt  }
0x6e: {  	_ =	shalt  }
0x6f: {  	_ =	shalt  }
0x70: {  	_ =	shalt  }
0x71: {  	_ =	shalt  }
0x72: {  	_ =	shalt  }
0x73: {  	_ =	shalt  }
0x74: {  	_ =	shalt  }
0x75: {  	_ =	shalt  }
0x76: {  	_ =	shalt  }
0x77: {  	_ =	shalt  }
0x78: {  	_ =	shalt  }
0x79: {  	_ =	shalt  }
0x7a: {  	_ =	shalt  }
0x7b: {  	_ =	shalt  }
0x7c: {  	_ =	shalt  }
0x7d: {  	_ =	shalt  }
0x7e: {  	_ =	shalt  }
0x7f: {  	_ =	shalt  }
0x80: {  	_ =	shalt  }
0x81: {  	_ =	shalt  }
0x82: {  	_ =	shalt  }
0x83: {  	_ =	shalt  }
0x84: {  	_ =	shalt  }
0x85: {  	_ =	shalt  }
0x86: {  	_ =	shalt  }
0x87: {  	_ =	shalt  }
.Lfunc_end0:
.L_simem_size_0:
called_computation_lowered:
.L_overlay_start_0:
0x88: {  	s0 =	sld [smem:$0x3FD9]  }
0x89: {  	s1 =	sld [smem:$0x3FFE];
	_ =	sdelay $0x3  }
0x8a: {  	s0 =	sadd.s32 s1, s0  }
0x8b: {  	[smem:$0x3FC6] =	sst s0  }
0x8c: {  	_ = 	snop  }
0x8d: {  	s0 =	sld [smem:$0x3FC9]  }
0x8e: {  	s17 =	sld [smem:$0x3FC8]  }
0x8f: {  	s2 =	sld [smem:$0x3FD0];
	(tm) =	ssettm $0x1  }
0x90: {  	s3 =	sld [smem:$0x3FFB];
	_ =	sdelay $0x3  }
0x91: {  	_ =	strace s3  }
0x92: {  	s3 =	sld [smem:$0x3FFC];
	_ =	sdelay $0x3  }
0x93: {  	_ =	strace s3  }
0x94: {  	s3 =	sld [smem:$0x3FFD];
	_ =	sdelay $0x3  }
0x95: {  	_ =	strace s3  }
0x96: {  	_ =	strace $0x8FFFFFFF  }
0x97: {  	s18 =	sld [smem:$0x3FDB];
	_ =	sdelay $0x1  }
0x98: {  	s4 =	simm.s32 $_scs_section_size  }
0x99: {  	s5 =	simm.s32 $_size__tile_overlayer_lowered;
	s6 =	simm.s32 $_tile_overlayer_lowered  }
0x9a: {  	s21 =	simm.s32 $0x1BFF;
	s20 =	sshll.u32 s6, $0x1;
	s3 =	sadd.s32 s4, s18  }
0x9b: {  	s7 =	simm.s32 $0x0;
	s19 =	sshll.u32 s5, $0x1;
	s5 =	sadd.s32 s20, s3  }
0x9c: {  	[timem:s7], [sflag:s21] =	dma.local [hbm:s5], s19  }
0x9d: {  	_ =	swait.ge [sflag:s21], s19  }
0x9e: {  	s4 =	ssub.s32 $0x0, s19;
	[sflag:s21] =	ssyncset.done $0x0  }
0x9f: {  	[sflag:s21] =	ssyncadd.s32 s4;
	_ =	sdelay $0x1  }
0xa0: {  	s22 =	simm.s32 $0x1B8B  }
0xa1: {  	_ =	swait.ge [sflag:s22], $0x1  }
0xa2: {  	[sflag:s22] =	ssyncset.done $0x0  }
0xa3: {  	s23 =	simm.s32 $0x1B8E;
	[sflag:s22] =	ssyncadd.s32 $0xFFFFFFFF  }
0xa4: {  	s24 =	simm.s32 $execute0_lowered;
	[smem:$0x3FD2] =	sst s23  }
0xa5: {  	s4 =	sshll.u32 s24, $0x1;
	_ =	strace $0x80000046;
	[dreg:$0x1] =	wrdreg $0xFFFFFFFF  }
0xa6: {  	s25 =	simm.s32 $_size_execute0_lowered;
	s3 =	sadd.s32 s3, s4;
	[dreg:$0x0] =	wrdreg $0x0  }
0xa7: {  	s4 =	sshll.u32 s25, $0x1;
	[dreg:$0x2] =	wrdreg s3  }
0xa8: {  	[dreg:$0x3] =	wrdreg s4  }
0xa9: {  	[dreg:$0x4] =	wrdreg $0xC0  }
0xaa: {  	_ =	task [dreg:s7], $0x5FFFF  }
0xab: {  	[dreg:$0x1] =	wrdreg $0xFFFFFFFF  }
0xac: {  	[dreg:$0x0] =	wrdreg $0x60  }
0xad: {  	[dreg:$0x2] =	wrdreg s0  }
0xae: {  	[dreg:$0x3] =	wrdreg s17  }
0xaf: {  	[dreg:$0x4] =	wrdreg s2  }
0xb0: {  	[dreg:$0x5] =	wrdreg $0x8800  }
0xb1: {  	[dreg:$0x6] =	wrdreg $0x9  }
0xb2: {  	_ =	task.clear_ibuf [dreg:s7], $0x7FFFF;
	_ =	strace $0x90000046  }
0xb3: {  	s26 =	simm.s32 $0x9;
	_ =	strace $0x80000048  }
0xb4: {  	_ =	swait.ge [sflag:s26], $0x1  }
0xb5: {  	[sflag:s26] =	ssyncadd.s32 $0xFFFFFFFF  }
0xb6: {  	_ =	strace $0x90000048  }
0xb7: {  	_ =	sfence  }
0xb8: {  	s28 =	sld [smem:$0x0];
	_ =	sdelay $0x1  }
0xb9: {  	s29 =	srdreg.scid  }
0xba: {  	s30 =	sshll.u32 s29, $0xD;
	s31 =	sshrl.u32 s29, $0x2  }
0xbb: {  	s1 =	sand.u32 $0x1, s29;
	s2 =	sand.u32 $0x4000, s30;
	s0 =	sadd.s32 s31, s28  }
0xbc: {  	s1 =	sor.u32 s2, s1;
	s0 =	sshll.u32 s0, $0x11  }
0xbd: {  	s0 =	sor.u32 s0, s1  }
0xbe: {  	s0 =	sadd.s32 $0x8F2B, s0  }
0xbf: {  	[sflag:s0] =	ssyncadd.remote.s32 $0x1  }
0xc0: {  	_ =	sfence.sel $0xFFFF  }
0xc1: {  	[dreg:$0x0] =	wrdreg $0xFFFFFFFF;
	(pc) =	sbr.abs _section_cstart, $3  }
0xc2: {  	[dreg:$0x1] =	wrdreg $0xFFFFFFFF  }
0xc3: {  	_ =	task.clear_ibuf [dreg:s7], $0x2FFFF;
	_ =	strace $0x9FFFFFFF  }
0xc4: {  	(tm) =	ssettm $0x7FFFFFFF  }
0xc5: {  	_ =	shalt  }
tec
execute0_lowered:
.L_overlay_start_1:
0x0: {  	(tag) =	ssettag $0x1  }
0x1: {  	s5 =	rddreg [dreg:$0x0]  }
0x2: {  	s6 =	rddreg [dreg:$0x1]  }
0x3: {  	s1 =	rddreg [dreg:$0x2]  }
0x4: {  	s2 =	rddreg [dreg:$0x3];
	s7 =	simm.s32 $0x0;
	s3 =	stileid.u32  }
0x5: {  	[smem:$0x7FF] =	sst s7;
	s4 =	sshll.u32 s3, $0x7  }
0x6: {  	s0 =	rddreg [dreg:$0x4];
	_ =	strace $0x80000047;
	s5 =	sadd.s32 s5, s4  }
0x7: {  	[tilespmem:s7], [sflag:$0x1] =	stream.linear.gather [hbm4b:s5+s7], $0x400, $0x38;
	[tilespmem:$0x8A0] =	vst v63  }
0x8: {  	s28 =	simm.s32 $0x400;
	s29 =	simm.s32 $0x1;
	s26 =	sadd.s32 s6, s4  }
0x9: {  	[tilespmem:s28], [sflag:$0x1] =	stream.linear.gather [hbm4b:s26+s7], $0x400, $0x38;
	[tilespmem:$0x8A0] =	vst v63  }
0xa: {  	_ =	swait.ge [sflag:s29], $0x400  }
0xb: {  	[sflag:s29] =	ssyncset.done $0x0  }
0xc: {  	[sflag:s29] =	ssyncadd.s32 $0xFFFFFC00  }
0xd: {  	_ =	swait.ge [sflag:s29], $0x400  }
0xe: {  	[sflag:s29] =	ssyncset.done $0x0  }
0xf: {  	s30 =	simm.s32 $0x0;
	[sflag:s29] =	ssyncadd.s32 $0xFFFFFC00  }
0x10: {  	v1 =	vld [tilespmem:s30+$0x400]  }
0x11: {  	v6 =	vld [tilespmem:s30+$0x0];
	_ =	sdelay $0x2  }
0x12: {  	v0 =	vimm.f32 $0.0e+00;
	s31 =	simm.s32 $0x10;
	v10 =	vimm.f32 $0.0e+00  }
0x13: {  	v11 =	vimm.f32 $0.0e+00;
	v3 =	vld [tilespmem:s31+$0x400];
	vm0 =	veq.s32 v1, $0x0;
	vm3 =	veq.s32 v1, $0x3  }
0x14: {  	vm1 =	veq.s32 v1, $0x1;
	vm2 =	veq.s32 v1, $0x2;
	v2 =	vnsel vm3, $0x0, v6  }
0x15: {  	v1 =	vsel vm3, $0x3F800000, v0;
	v4 =	vnsel vm2, $0x0, v6;
	v7 =	vsel vm1, $0x3F800000, v0  }
0x16: {  	v8 =	vnsel vm1, $0x0, v6;
	v9 =	vnsel vm0, $0x0, v6;
	v6 =	vadd.f32 v7, v0;
	v7 =	vld [tilespmem:s31+$0x0]  }
0x17: {  	v5 =	vsel vm2, $0x3F800000, v0;
	v12 =	vsel vm0, $0x3F800000, v0;
	v1 =	vadd.f32 v1, v0  }
0x18: {  	vm0 =	veq.s32 v3, $0x0;
	v4 =	vadd.f32 v4, v0;
	v2 =	vadd.f32 v2, v0  }
0x19: {  	s5 =	simm.s32 $0x80;
	vm1 =	veq.s32 v3, $0x1;
	v5 =	vadd.f32 v5, v0;
	v9 =	vadd.f32 v9, v0  }
.LBB2_1:
0x1a: {  	s6 =	sshra.s32 s5, $0x2;
	p0 =	sne.s32 s5, $0xFC0;
	s5 =	sadd.s32 $0x40, s5;
	vm2 =	veq.s32 v3, $0x2;
	vm3 =	veq.s32 v3, $0x3;
	v10 =	vadd.f32 v8, v10  }
0x1b: {  	v11 =	vadd.f32 v12, v11;
	v3 =	vld [tilespmem:s6+$0x400];
	v13 =	vnsel vm3, $0x0, v7;
	v14 =	vsel vm3, $0x3F800000, v0;
	v12 =	vmovc v7  }
.Ltmp0:
0x1c: {  	v8 =	vnsel vm1, $0x0, v12;
	v15 =	vnsel vm2, $0x0, v12;
	v1 =	vadd.f32 v14, v1;
	(pc) =	sbr.rel @p0 .LBB2_1-.Ltmp0, $4  }
0x1d: {  	v14 =	vsel vm2, $0x3F800000, v0;
	v2 =	vadd.f32 v13, v2;
	v7 =	vld [tilespmem:s6+$0x0];
	v4 =	vadd.f32 v15, v4  }
0x1e: {  	v13 =	vsel vm1, $0x3F800000, v0;
	v5 =	vadd.f32 v14, v5  }
0x1f: {  	v14 =	vnsel vm0, $0x0, v12;
	v12 =	vsel vm0, $0x3F800000, v0;
	v6 =	vadd.f32 v13, v6  }
0x20: {  	v9 =	vadd.f32 v14, v9;
	vm0 =	veq.s32 v3, $0x0;
	vm1 =	veq.s32 v3, $0x1  }
0x21: {  	_ = 	snop  }
0x22: {  	v11 =	vadd.f32 v12, v11;
	v43 =	vnsel vm0, $0x0, v7  }
0x23: {  	v8 =	vadd.f32 v8, v10;
	v44 =	vsel vm0, $0x3F800000, v0;
	v9 =	vadd.f32 v43, v9  }
0x24: {  	v45 =	vnsel vm1, $0x0, v7;
	v10 =	vadd.f32 v44, v11  }
0x25: {  	vm10 =	veq.s32 v3, $0x2;
	v46 =	vsel vm1, $0x3F800000, v0;
	v8 =	vadd.f32 v45, v8;
	(xrf2) =	vadd.scan.msk.f32 $0xffff, v9  }
0x26: {  	v47 =	vnsel vm10, $0x0, v7;
	v6 =	vadd.f32 v46, v6;
	(xrf2) =	vadd.scan.msk.f32 $0xffff, v10  }
0x27: {  	vm11 =	veq.s32 v3, $0x3;
	v49 =	vsel vm10, $0x3F800000, v0;
	v48 =	vadd.f32 v47, v4;
	(xrf2) =	vadd.scan.msk.f32 $0xffff, v8  }
0x28: {  	v50 =	vnsel vm11, $0x0, v7;
	v4 =	vadd.f32 v49, v5;
	(xrf2) =	vadd.scan.msk.f32 $0xffff, v6  }
0x29: {  	v51 =	vsel vm11, $0x3F800000, v0;
	v2 =	vadd.f32 v50, v2;
	(xrf2) =	vadd.scan.msk.f32 $0xffff, v48  }
0x2a: {  	v0 =	vadd.f32 v51, v1;
	(xrf2) =	vadd.scan.msk.f32 $0xffff, v4  }
0x2b: {  	(xrf2) =	vadd.scan.msk.f32 $0xffff, v2  }
0x2c: {  	(xrf2) =	vadd.scan.msk.f32 $0xffff, v0;
	_ =	sdelay $0x2  }
0x2d: {  	v52, _, _ =	vpop (xrf2)  }
0x2e: {  	v53, _, _ =	vpop (xrf2)  }
0x2f: {  	v54, _, _ =	vpop (xrf2)  }
0x30: {  	vm12 =	vmmov $0x1;
	v0 =	vbroadcast v52, $0xF;
	v55, _, _ =	vpop (xrf2)  }
0x31: {  	vm13 =	vcmask $0x310;
	vm14 =	vcmask $0x710;
	v1 =	vbroadcast v53, $0xF;
	v56, _, _ =	vpop (xrf2)  }
0x32: {  	vm15 =	vcmask $0xB10;
	v2 =	vbroadcast v54, $0xF;
	v0 =	vnsel vm12, $0x0, v0;
	v57, _, _ =	vpop (xrf2)  }
0x33: {  	v3 =	vbroadcast v55, $0xF;
	v1 =	vnsel vm12, $0x0, v1;
	v59 =	vbroadcast v56, $0xF;
	v58, _, _ =	vpop (xrf2)  }
0x34: {  	v0 =	vsel vm13, v0, v2;
	v60 =	vbroadcast v57, $0xF;
	v61 =	vbroadcast v58, $0xF;
	v62, _, _ =	vpop (xrf2)  }
0x35: {  	v1 =	vsel vm13, v1, v3;
	v0 =	vsel vm14, v0, v59;
	v63 =	vbroadcast v62, $0xF  }
0x36: {  	v1 =	vsel vm14, v1, v60;
	v0 =	vsel vm15, v0, v61  }
0x37: {  	s4 =	sshrl.u32 s4, $0x2;
	v1 =	vsel vm15, v1, v63;
	[tilespmem:$0x800] =	vst v0  }
0x38: {  	s5 =	simm.s32 $0x800;
	s4 =	sadd.s32 s4, s2;
	[tilespmem:$0x810] =	vst v1  }
0x39: {  	[spmem:s4] =	stream.linear.scatter [tilespmem:s5], [sflag:$0x2], $0x20, $0x38;
	[tilespmem:$0x8A0] =	vst v63  }
0x3a: {  	s4 =	simm.s32 $0x2  }
0x3b: {  	_ =	swait.ge [sflag:s4], $0x20  }
0x3c: {  	[sflag:s4] =	ssyncset.done $0x0  }
0x3d: {  	[sflag:s4] =	ssyncadd.s32 $0xFFFFFFE0  }
0x3e: {  	p0 =	sne.s32 s3, $0x0;
	[bflag:$0x0] =	sbarrier.arrive $0xFFFF  }
0x3f: {  	_ =	sfence.sel @p0 $0x180000  }
0x40: {  	[bflag:$0x0] =	sbarrier.arrive @p0 $0xFFFF  }
0x41: {  	_ =	strace @p0 $0x90000047  }
0x42: {  	[bflag:$0x2] =	sbarrier.arrive @p0 $0xFFFF  }
0x43: {  	_ =	shalt @p0  }
.LBB2_3:
0x44: {  	s3 =	simm.s32 $0x0  }
0x45: {  	[tilespmem:s3], [sflag:$0x2] =	stream.linear.gather [spmem:s2], $0x200, $0x38;
	[tilespmem:$0x8A0] =	vst v63  }
0x46: {  	_ =	swait.ge [sflag:s4], $0x200  }
0x47: {  	[sflag:s4] =	ssyncset.done $0x0  }
0x48: {  	[sflag:s4] =	ssyncadd.s32 $0xFFFFFE00  }
0x49: {  	v0 =	vld [tilespmem:$0x10];
	_ =	sdelay $0x1  }
0x4a: {  	v1 =	vld [tilespmem:$0x30];
	_ =	sdelay $0x1  }
0x4b: {  	v2 =	vld [tilespmem:$0x50]  }
0x4c: {  	v0 =	vadd.f32 $0.0e+00, v0  }
0x4d: {  	v3 =	vld [tilespmem:$0x70]  }
0x4e: {  	v0 =	vadd.f32 v1, v0  }
0x4f: {  	v38 =	vld [tilespmem:$0x90]  }
0x50: {  	v4 =	vld [tilespmem:$0x0];
	v0 =	vadd.f32 v2, v0  }
0x51: {  	v39 =	vld [tilespmem:$0xB0]  }
0x52: {  	v5 =	vld [tilespmem:$0x20];
	v0 =	vadd.f32 v3, v0  }
0x53: {  	v40 =	vld [tilespmem:$0xD0]  }
0x54: {  	v6 =	vld [tilespmem:$0x40];
	v0 =	vadd.f32 v38, v0  }
0x55: {  	v41 =	vld [tilespmem:$0xF0]  }
0x56: {  	v7 =	vld [tilespmem:$0x60];
	v4 =	vadd.f32 $0.0e+00, v4;
	v0 =	vadd.f32 v39, v0  }
0x57: {  	v42 =	vld [tilespmem:$0x110]  }
0x58: {  	v43 =	vld [tilespmem:$0x80];
	v4 =	vadd.f32 v5, v4;
	v0 =	vadd.f32 v40, v0  }
0x59: {  	v44 =	vld [tilespmem:$0x130]  }
0x5a: {  	v45 =	vld [tilespmem:$0xA0];
	v4 =	vadd.f32 v6, v4;
	v0 =	vadd.f32 v41, v0  }
0x5b: {  	v46 =	vld [tilespmem:$0x150]  }
0x5c: {  	v47 =	vld [tilespmem:$0xC0];
	v4 =	vadd.f32 v7, v4;
	v0 =	vadd.f32 v42, v0  }
0x5d: {  	v48 =	vld [tilespmem:$0x170]  }
0x5e: {  	v49 =	vld [tilespmem:$0xE0];
	v4 =	vadd.f32 v43, v4;
	v0 =	vadd.f32 v44, v0  }
0x5f: {  	v50 =	vld [tilespmem:$0x190]  }
0x60: {  	v51 =	vld [tilespmem:$0x100];
	v4 =	vadd.f32 v45, v4;
	v0 =	vadd.f32 v46, v0  }
0x61: {  	v52 =	vld [tilespmem:$0x1B0]  }
0x62: {  	v53 =	vld [tilespmem:$0x120];
	v4 =	vadd.f32 v47, v4;
	v0 =	vadd.f32 v48, v0  }
0x63: {  	v54 =	vld [tilespmem:$0x1D0]  }
0x64: {  	v55 =	vld [tilespmem:$0x140];
	v4 =	vadd.f32 v49, v4;
	v0 =	vadd.f32 v50, v0  }
0x65: {  	v56 =	vld [tilespmem:$0x1F0]  }
0x66: {  	v4 =	vadd.f32 v51, v4;
	v0 =	vadd.f32 v52, v0  }
0x67: {  	v57 =	vld [tilespmem:$0x160]  }
0x68: {  	v4 =	vadd.f32 v53, v4;
	v0 =	vadd.f32 v54, v0  }
0x69: {  	v58 =	vld [tilespmem:$0x180]  }
0x6a: {  	v4 =	vadd.f32 v55, v4;
	v0 =	vadd.f32 v56, v0  }
0x6b: {  	v59 =	vld [tilespmem:$0x1A0]  }
0x6c: {  	v1 =	vadd.f32 v57, v4;
	(erf) = vrcp.f32 v0  }
0x6d: {  	v60 =	vld [tilespmem:$0x1C0]  }
0x6e: {  	v1 =	vadd.f32 v58, v1  }
0x6f: {  	v61 =	vld [tilespmem:$0x1E0]  }
0x70: {  	v1 =	vadd.f32 v59, v1;
	_ =	sdelay $0x1  }
0x71: {  	v0 =	vadd.f32 v60, v1;
	_ =	sdelay $0x1  }
0x72: {  	v0 =	vadd.f32 v61, v0  }
0x73: {  	v62 =	vpop (erf)  }
0x74: {  	v0 =	vmul.f32 v62, v0;
	_ =	sdelay $0x1  }
0x75: {  	(v2sf) =	vpush v0, $0x0  }
0x76: {  	(v2sf) =	vpush v0, $0x1  }
0x77: {  	(v2sf) =	vpush v0, $0x2  }
0x78: {  	(v2sf) =	vpush v0, $0x3;
	_ =	sdelay $0xb  }
0x79: {  	s30 =	spop (v2sf)  }
0x7a: {  	s6 =	spop (v2sf)  }
0x7b: {  	s7 =	spop (v2sf);
	s9 =	smax.f32 s30, s6  }
0x7c: {  	s2 =	smin.f32 s30, s6;
	s8 =	spop (v2sf)  }
0x7d: {  	s31 =	smax.f32 s9, s7;
	s2 =	smin.f32 s2, s7  }
0x7e: {  	s6 =	smax.f32 s31, s8;
	s2 =	smin.f32 s2, s8  }
0x7f: {  	s2 =	ssub.f32 s6, s2;
	_ =	sdelay $0x1  }
0x80: {  	s2 =	smul.f32 s2, s2;
	_ =	sdelay $0x1  }
0x81: {  	s2 =	smax.f32 s2, $0.0e+00  }
0x82: {  	v63 =	vmov s2  }
0x83: {  	[tilespmem:$0x800] =	vst v63  }
0x84: {  	[hbm4b:s1+s3] =	stream.linear.scatter [tilespmem:s5], [sflag:$0x2], $0x10, $0x38;
	[tilespmem:$0x8A0] =	vst v63  }
0x85: {  	_ =	swait.ge [sflag:s4], $0x10  }
0x86: {  	[sflag:s4] =	ssyncset.done $0x0  }
0x87: {  	[sflag:s4] =	ssyncadd.s32 $0xFFFFFFF0  }
0x88: {  	_ =	sfence.sel $0x180000  }
0x89: {  	[bflag:$0x0] =	sbarrier.arrive $0xFFFF  }
0x8a: {  	_ =	strace $0x90000047  }
0x8b: {  	s0 =	sadd.s32 $0x100000, s0;
	[bflag:$0x2] =	sbarrier.arrive $0xFFFF  }
0x8c: {  	[sflag:s0] =	ssyncadd.tile.s32 $0x1;
	_ =	shalt  }
.Lfunc_end2:
_tile_overlayer_lowered:
.L_overlay_start_2:
0x8d: {  	(tag) =	ssettag $0x2  }
0x8e: {  	s0 =	rddreg [dreg:$0x0];
	s2 =	stileid.u32  }
0x8f: {  	s1 =	rddreg [dreg:$0x1];
	p0 =	sne.s32 s2, $0x0  }
0x90: {  	s3 =	rddreg [dreg:$0x2];
	[bflag:$0x3] =	sbarrier.arrive $0xFFFF;
	s2 =	simm.s32 @!p0 $0x1C02  }
0x91: {  	[timem:s3], [sflag:s2] =	dma.local @!p0 [hbm:s0], s1  }
0x92: {  	s0 =	simm.s32 @!p0 $0x2  }
0x93: {  	_ =	swait.ge @!p0 [sflag:s0], s1  }
0x94: {  	s1 =	ssub.s32 @!p0 $0x0, s1;
	[sflag:s0] =	ssyncset.done @!p0 $0x0  }
0x95: {  	[sflag:s0] =	ssyncadd.s32 @!p0 s1  }
0x96: {  	[bflag:$0x3] =	sbarrier.arrive $0xFFFF  }
0x97: {  	_ =	shalt  }

</sc_bundles>
